<compile_context>
chip_gen: v7x
topology: tpu7x:2x2x1
jax: 0.10.2.dev20260603
libtpu: 0.0.44.dev20260713+nightly
codegen_flags: <defaults>
</compile_context>

<pallas_src>
import jax
import jax.numpy as jnp
from jax import lax
from jax.experimental import pallas as pl
from jax.experimental.pallas import tpu as pltpu


def _tiny(x_ref, o_ref):
    o_ref[...] = x_ref[...] * 2.0


def kernel(features, prototypes, counts, class_id):
    one_f = lax.optimization_barrier(jnp.float32(1.0))
    one_i = lax.optimization_barrier(jnp.int32(1))
    protos2 = prototypes * one_f
    counts2 = counts * one_i
    dummy = pl.pallas_call(
        _tiny,
        out_shape=jax.ShapeDtypeStruct((8, 128), jnp.float32),
    )(features[:8])
    protos2 = protos2.at[0, 0, 0].add(dummy[0, 0] * 0.0)
    return protos2, counts2

# --- scband reference (transcript-rebuilt; emitter-appended) ---
"""Pipeline reference for scband-prototype-bank-1331439862040 (READ-ONLY COPY).

The authoritative reference and input builder live on the scoring server;
editing this copy changes nothing except your own understanding.
"""

import jax, jax.numpy as jnp
import numpy as np

NUM_CLASSES = 1000
FEATURE_DIM = 128
MAX_PROTOS = 100
NUM_FEATURES = 2048


def normalize_features(x, eps=1e-12):
    # Mirrors torch.nn.functional.normalize(x, p=2, dim=1)
    norm = jnp.sqrt(jnp.sum(x * x, axis=1, keepdims=True))
    return x / jnp.maximum(norm, eps)


def setup_inputs(seed: int = 0) -> dict:
    key = jax.random.key(seed)
    features = jax.random.normal(jax.random.fold_in(key, 0), (NUM_FEATURES, FEATURE_DIM), dtype=jnp.float32)
    # Persistent buffers of the PrototypeBank, flattened into stacked arrays:
    # class_{i}_prototypes -> prototypes[i], class_{i}_counts -> counts[i]
    prototypes = jnp.zeros((NUM_CLASSES, MAX_PROTOS, FEATURE_DIM), dtype=jnp.float32)
    counts = jnp.zeros((NUM_CLASSES, MAX_PROTOS), dtype=jnp.int32)
    class_id = 7
    return {"features": features, "prototypes": prototypes, "counts": counts, "class_id": class_id}


def reference(features, prototypes, counts, class_id):
    # add_prototypes: normalize features, overwrite-scatter the first
    # num_to_add rows of the target class's prototype buffer, set counts=1.
    feats_norm = normalize_features(features)
    num_to_add = min(features.shape[0], prototypes.shape[1])
    new_prototypes = prototypes.at[class_id, :num_to_add].set(feats_norm[:num_to_add])
    new_counts = counts.at[class_id, :num_to_add].set(1)
    return new_prototypes, new_counts

if __name__ == "__main__":
    import jax
    _d = setup_inputs()
    print(jax.jit(kernel)(*tuple(_d.values())))

</pallas_src>

<mosaic_0001>
module attributes {stable_mosaic.version = 14 : i64} {
  func.func @_tiny(%arg0: memref<8x128xf32, #tpu.memory_space<vmem>>, %arg1: memref<8x128xf32, #tpu.memory_space<vmem>>) attributes {dimension_semantics = [], scalar_prefetch = 0 : i64, scratch_operands = 0 : i64, tpu.core_type = #tpu.core_type<tc>} {
    %get3A = arith.constant 0 : index
    %get3A_0 = arith.constant 0 : index
    %get3A_1 = vector.load %arg0[%get3A, %get3A_0] : memref<8x128xf32, #tpu.memory_space<vmem>>, vector<8x128xf32>
    %mul3A = arith.constant 2.000000e+00 : f32
    %mul3A_2 = vector.broadcast %mul3A : f32 to vector<8x128xf32>
    %mul3A_3 = arith.mulf %get3A_1, %mul3A_2 : vector<8x128xf32>
    %swap3A = arith.constant 0 : index
    %swap3A_4 = arith.constant 0 : index
    %swap3A_5 = vector.load %arg1[%swap3A, %swap3A_4] : memref<8x128xf32, #tpu.memory_space<vmem>>, vector<8x128xf32>
    tpu.vector_store %arg1[%swap3A, %swap3A_4], %mul3A_3 {strides = array<i32>} : memref<8x128xf32, #tpu.memory_space<vmem>>, vector<8x128xf32>,
    return
  }
}

</mosaic_0001>

<sc_bundles>
// kernel: sparse-core-data-format-call.cloned.1.call-start
scs
called_computation_lowered:
.L_overlay_start_0:
0x0: {  	s2 =	sld [smem:$0x3FD9]  }
0x1: {  	s3 =	sld [smem:$0x3FFE];
	_ =	sdelay $0x1  }
0x2: {  	s1 =	srdreg.scid  }
0x3: {  	s0 =	sand.u32 $0x1, s1  }
0x4: {  	s15 =	sshll.u32 s0, $0xA;
	s2 =	sadd.s32 s3, s2  }
0x5: {  	s2 =	sadd.s32 s2, s15  }
0x6: {  	[smem:$0x3FC5] =	sst s2  }
0x7: {  	_ = 	snop  }
0x8: {  	s2 =	sld [smem:$0x3FD0];
	_ =	sdelay $0x2  }
0x9: {  	s16 =	simm.s32 $0xA;
	s4 =	simm.s32 $0x10  }
0xa: {  	[smem:s4], [sflag:s16] =	dma.local [hbm:s2], $0x1  }
0xb: {  	_ =	swait.eq [sflag:s16], $0x1  }
0xc: {  	[sflag:s16] =	ssyncset.done $0x0  }
0xd: {  	[sflag:s16] =	ssyncadd.s32 $0xFFFFFFFF  }
0xe: {  	s17 =	sld [smem:$0x10];
	(tm) =	ssettm $0x1  }
0xf: {  	s18 =	sld [smem:$0x3FFB];
	_ =	sdelay $0x3  }
0x10: {  	_ =	strace s18  }
0x11: {  	s3 =	sld [smem:$0x3FFC];
	_ =	sdelay $0x3  }
0x12: {  	_ =	strace s3  }
0x13: {  	s3 =	sld [smem:$0x3FFD];
	_ =	sdelay $0x3  }
0x14: {  	_ =	strace s3  }
0x15: {  	_ =	strace $0x8FFFFFFF  }
0x16: {  	s19 =	sld [smem:$0x3FDB];
	_ =	sdelay $0x1  }
0x17: {  	s20 =	simm.s32 $_scs_section_size  }
0x18: {  	s5 =	simm.s32 $_size__tile_overlayer_lowered;
	s6 =	simm.s32 $_tile_overlayer_lowered  }
0x19: {  	s23 =	simm.s32 $0x1BFF;
	s22 =	sshll.u32 s6, $0x1;
	s3 =	sadd.s32 s20, s19  }
0x1a: {  	s7 =	simm.s32 $0x0;
	s21 =	sshll.u32 s5, $0x1;
	s5 =	sadd.s32 s22, s3  }
0x1b: {  	[timem:s7], [sflag:s23] =	dma.local [hbm:s5], s21  }
0x1c: {  	_ =	swait.ge [sflag:s23], s21  }
0x1d: {  	s4 =	ssub.s32 $0x0, s21;
	[sflag:s23] =	ssyncset.done $0x0  }
0x1e: {  	[sflag:s23] =	ssyncadd.s32 s4;
	_ =	sdelay $0x1  }
0x1f: {  	s24 =	simm.s32 $0x1B8B  }
0x20: {  	_ =	swait.ge [sflag:s24], $0x1  }
0x21: {  	[sflag:s24] =	ssyncset.done $0x0  }
0x22: {  	s26 =	simm.s32 $0x1B8E;
	s25 =	sld [smem:$0x3FFE];
	[sflag:s24] =	ssyncadd.s32 $0xFFFFFFFF  }
0x23: {  	s27 =	simm.s32 $execute0_lowered;
	[smem:$0x3FD2] =	sst s26  }
0x24: {  	s5 =	sshll.u32 s27, $0x1;
	_ =	strace $0x80000046;
	[dreg:$0x1] =	wrdreg $0xFFFFFFFF  }
0x25: {  	s28 =	simm.s32 $_size_execute0_lowered;
	s3 =	sadd.s32 s3, s5;
	[dreg:$0x0] =	wrdreg $0x0  }
0x26: {  	s5 =	sshll.u32 s28, $0x1;
	[dreg:$0x2] =	wrdreg s3  }
0x27: {  	[dreg:$0x3] =	wrdreg s5  }
0x28: {  	[dreg:$0x4] =	wrdreg $0xC0  }
0x29: {  	_ =	task [dreg:s7], $0x5FFFF  }
0x2a: {  	[dreg:$0x1] =	wrdreg $0xFFFFFFFF  }
0x2b: {  	[dreg:$0x0] =	wrdreg $0x60  }
0x2c: {  	[dreg:$0x2] =	wrdreg s25  }
0x2d: {  	[dreg:$0x3] =	wrdreg s17  }
0x2e: {  	[dreg:$0x4] =	wrdreg $0x9  }
0x2f: {  	_ =	task.clear_ibuf [dreg:s7], $0x5FFFF;
	_ =	strace $0x90000046  }
0x30: {  	s29 =	simm.s32 $0x9;
	_ =	strace $0x80000048  }
0x31: {  	_ =	swait.ge [sflag:s29], $0x1  }
0x32: {  	[sflag:s29] =	ssyncadd.s32 $0xFFFFFFFF  }
0x33: {  	_ =	strace $0x90000048  }
0x34: {  	_ =	sfence  }
0x35: {  	s30 =	sld [smem:$0x0];
	_ =	sdelay $0x2  }
0x36: {  	s31 =	sshll.u32 s1, $0xD;
	s1 =	sshrl.u32 s1, $0x2  }
0x37: {  	s3 =	sand.u32 $0x4000, s31;
	s1 =	sadd.s32 s1, s30  }
0x38: {  	s0 =	sor.u32 s3, s0;
	s1 =	sshll.u32 s1, $0x11  }
0x39: {  	s0 =	sor.u32 s1, s0  }
0x3a: {  	s0 =	sadd.s32 $0x8F2B, s0  }
0x3b: {  	[sflag:s0] =	ssyncadd.remote.s32 $0x1  }
0x3c: {  	_ =	sfence.sel $0xFFFF  }
0x3d: {  	[dreg:$0x0] =	wrdreg $0xFFFFFFFF;
	(pc) =	sbr.abs _section_cstart, $3  }
0x3e: {  	[dreg:$0x1] =	wrdreg $0xFFFFFFFF  }
0x3f: {  	_ =	task.clear_ibuf [dreg:s7], $0x2FFFF;
	_ =	strace $0x9FFFFFFF  }
0x40: {  	(tm) =	ssettm $0x7FFFFFFF  }
0x41: {  	_ =	shalt  }
tec
execute0_lowered:
.L_overlay_start_1:
0x0: {  	(tag) =	ssettag $0x1  }
0x1: {  	s3 =	rddreg [dreg:$0x0];
	s0 =	srdreg.scid  }
0x2: {  	s2 =	rddreg [dreg:$0x1];
	s1 =	stileid.u32  }
0x3: {  	s5 =	simm.s32 $0x1;
	s7 =	simm.s32 $0x2;
	p0 =	por $0x0, $0x0  }
0x4: {  	s14 =	simm.s32 $0x0;
	s13 =	simm.s32 $0x0;
	s9 =	simm.s32 $0x0  }
0x5: {  	s10 =	simm.s32 $0x0;
	s8 =	simm.s32 $0x0;
	s21 =	simm.s32 $0x0  }
.Ltmp0:
0x6: {  	s4 =	sshll.u32 s0, $0x4;
	s0 =	rddreg [dreg:$0x2];
	(pc) =	sbr.rel .LBB1_1-.Ltmp0, $4  }
0x7: {  	_ =	strace $0x80000047;
	s3 =	sadd.s32 $0x600, s3;
	s4 =	sand.u32 $0x10, s4  }
0x8: {  	s6 =	sshll.u32 s1, $0x7;
	[sflag:s5] =	ssyncpa.u1 $0x0;
	s4 =	sor.u32 s1, s4  }
0x9: {  	s6 =	sand.u32 $0x380, s6;
	[sflag:s7] =	ssyncpa.u1 $0x0;
	s4 =	sshrl.u32 s4, $0x3  }
0xa: {  	s7 =	simm.s32 $0x0;
	s12 =	smov.u32 s6;
	s11 =	smov.u32 s4  }
.LBB1_11:
0xb: {  	s18 =	sand.u32 $0x1FFFFFF, s10;
	p1 =	sgt.s32 s9, $0x63;
	s19 =	smov.u32 s9  }
0xc: {  	s20 =	smulhi.u32 $0x20C49BB, s18;
	s19 =	simm.s32 @!p1 $0x63  }
0xd: {  	s15 =	sadd.s32 s15, s19  }
0xe: {  	s27 =	sshrl.u32 s20, $0x3;
	s28 =	sadd.s32 $0xFFFFFF9D, s15  }
0xf: {  	s15 =	ssub.s32 $0x64, s15;
	s19 =	smul.u32 $0x3E8, s27;
	p1 =	sgt.s32 s28, $0x0  }
0x10: {  	s29 =	smul.u32 $0x3E80, s9;
	s15 =	simm.s32 @p1 $0x0  }
0x11: {  	s18 =	ssub.s32 s18, s19;
	s15 =	smul.u32 s15, s16  }
0x12: {  	s31 =	sadd.s32 s2, s29;
	s30 =	sshll.u32 s18, $0x4  }
0x13: {  	s17 =	sor.u32 $0x8000, s17;
	s15 =	sand.u32 $0x3FFFFF80, s15;
	s16 =	sadd.s32 s30, s31  }
0x14: {  	[hbm4b:s16+s7] =	stream.linear.scatter [tilespmem:s17], [sflag:$0x2], s15, $0x38;
	[tilespmem:$0x10000] =	vst v63  }
.LBB1_12:
0x15: {  	p1 =	slt.u32 s8, $0x2  }
0x16: {  	p2 =	sgt.s32 @!p1 s14, $0x63  }
0x17: {  	s15 =	smov.u32 s14;
	s16 =	sshra.s32 @!p1 s14, $0x1F;
	p2 =	por !p2, p1  }
0x18: {  	s17 =	sshra.s32 @!p1 s13, $0x1F;
	s15 =	simm.s32 @p2 $0x63;
	p2 =	sgt.s32 @!p1 s13, $0x368  }
0x19: {  	s14 =	sand.u32 @!p1 s16, s14;
	s16 =	smov.u32 s13;
	p2 =	por !p2, p1  }
0x1a: {  	s13 =	sand.u32 @!p1 s17, s13;
	s16 =	simm.s32 @p2 $0x368  }
0x1b: {  	s17 =	smov.u32 s12;
	s14 =	ssub.s32 @!p1 s15, s14;
	s13 =	ssub.s32 @!p1 s16, s13  }
0x1c: {  	s15 =	sadd.s32 @!p1 $0xFFFFFF9D, s14;
	s14 =	ssub.s32 @!p1 $0x64, s14;
	s13 =	sadd.s32 @!p1 $0xFFFFFC98, s13  }
0x1d: {  	p2 =	sgt.s32 @!p1 s15, $0x0;
	p3 =	sgt.s32 @!p1 s13, $0x7F;
	s13 =	sshll.u32 @!p1 s13, $0x7  }
0x1e: {  	p2 =	por !p2, p1;
	s13 =	ssub.s32 @!p1 $0x4000, s13;
	p3 =	por !p3, p1  }
0x1f: {  	s15 =	sadd.s32 $0x4, s11;
	s14 =	simm.s32 @!p2 $0x0;
	s13 =	simm.s32 @!p3 $0x0  }
0x20: {  	p2 =	sgt.s32 s15, $0x63;
	s13 =	smul.u32 @!p1 s14, s13;
	s14 =	sadd.s32 $0x400, s12  }
0x21: {  	s17 =	smov.u32 @p2 s14  }
0x22: {  	s8 =	sadd.s32 $0x1, s8;
	s15 =	smov.u32 @p2 s4;
	p2 =	sgt.s32 s17, $0x3E7  }
0x23: {  	s17 =	smov.u32 @p2 s6;
	p2 =	sne.s32 s8, $0x1B  }
.Ltmp1:
0x24: {  	p0 =	por !p0, !p0;
	(pc) =	sbr.rel @!p2 .LBB1_13-.Ltmp1, $4  }
0x25: {  	s16 =	simm.s32 @!p1 $0x2;
	s14 =	smov.u32 s9;
	s13 =	sand.u32 @!p1 $0x3FFFFF80, s13  }
0x26: {  	s9 =	smov.u32 s11;
	s11 =	smov.u32 s15;
	_ =	swait.ge @!p1 [sflag:s16], s13  }
0x27: {  	s18 =	ssub.s32 @!p1 $0x0, s13;
	s13 =	smov.u32 s10;
	[sflag:s16] =	ssyncset.done @!p1 $0x0  }
0x28: {  	s10 =	smov.u32 s12;
	s12 =	smov.u32 s17;
	[sflag:s16] =	ssyncadd.s32 @!p1 s18  }
.LBB1_1:
0x29: {  	p1 =	sgt.u32 s8, $0x18  }
0x2a: {  	s16 =	smov.u32 s12;
	p2 =	sgt.s32 @!p1 s12, $0x368;
	s15 =	sand.u32 @!p1 $0x1FFFFFF, s11  }
0x2b: {  	s17 =	sshra.s32 @!p1 s12, $0x1F;
	s18 =	sshra.s32 @!p1 s11, $0x1F;
	p2 =	por !p2, p1  }
0x2c: {  	s17 =	sand.u32 @!p1 s17, s12;
	s16 =	simm.s32 @p2 $0x368;
	p2 =	sgt.s32 @!p1 s11, $0x67  }
0x2d: {  	s16 =	ssub.s32 @!p1 s16, s17;
	p2 =	por !p2, p1;
	s17 =	smov.u32 s11  }
0x2e: {  	s19 =	smulhi.u32 @!p1 $0x2762763, s15;
	s18 =	sand.u32 @!p1 s18, s11;
	s17 =	simm.s32 @p2 $0x67  }
0x2f: {  	s16 =	sadd.s32 @!p1 $0xFFFFFC98, s16;
	s17 =	ssub.s32 @!p1 s17, s18  }
0x30: {  	s18 =	smul.u32 @!p1 $0x68, s19;
	p2 =	sgt.s32 @!p1 s16, $0x7F;
	s19 =	sadd.s32 @!p1 $0xFFFFFF99, s17  }
0x31: {  	s16 =	sshll.u32 @!p1 s16, $0x7;
	s17 =	ssub.s32 @!p1 $0x68, s17;
	p3 =	sgt.s32 @!p1 s19, $0x0  }
0x32: {  	s16 =	ssub.s32 @!p1 $0x4000, s16;
	p2 =	por !p2, p1;
	p3 =	por !p3, p1  }
0x33: {  	s16 =	simm.s32 @!p2 $0x0;
	s17 =	simm.s32 @!p3 $0x0  }
0x34: {  	s19 =	sxor.u32 @!p1 $0xFFFFFFFF, s8;
	s16 =	smul.u32 @!p1 s17, s16  }
0x35: {  	s15 =	ssub.s32 @!p1 s15, s18;
	s17 =	sshll.u32 @!p1 s19, $0xE;
	s19 =	smul.u32 @!p1 $0x680, s12  }
0x36: {  	s15 =	sshll.u32 @!p1 s15, $0x4  }
0x37: {  	s17 =	sand.u32 @!p1 $0x4000, s17;
	s16 =	sand.u32 @!p1 $0x3FFFFF80, s16;
	s18 =	sadd.s32 @!p1 s3, s19  }
0x38: {  	s19 =	simm.s32 @!p1 $0x3400;
	s15 =	sadd.s32 @!p1 s15, s18;
	s18 =	simm.s32 @!p1 $0x80  }
0x39: {  	[tilespmem:s17], [sflag:$0x1] =	stream.strided.gather @!p1 [hbm4b:s15+s18], s16, s19, s18, $0x38;
	[tilespmem:$0x10000] =	vst v63  }
0x3a: {  	p1 =	seq.s32 s8, $0x0  }
0x3b: {  	p2 =	seq.s32 @!p1 s8, $0x1A  }
0x3c: {  	p1 =	por p1, p2  }
.Ltmp2:
0x3d: {  	_ = 	snop;
	(pc) =	sbr.rel @p1 .LBB1_12-.Ltmp2, $1  }
0x3e: {  	_ =	sdelay $0x3  }
0x3f: {  	p1 =	sgt.s32 s10, $0x368;
	s15 =	smov.u32 s10;
	s16 =	sshra.s32 s10, $0x1F  }
0x40: {  	s17 =	ssub.s32 $0x0, s9;
	s15 =	simm.s32 @!p1 $0x368;
	s16 =	sand.u32 s16, s10  }
0x41: {  	s18 =	sshra.s32 s9, $0x1F;
	s19 =	smov.u32 s9;
	s16 =	ssub.s32 s15, s16  }
0x42: {  	p1 =	sgt.s32 s9, $0x67;
	s15 =	sand.u32 s17, s18;
	s16 =	sadd.s32 $0xFFFFFC98, s16  }
0x43: {  	s19 =	simm.s32 @!p1 $0x67;
	p1 =	sgt.s32 s16, $0x7F;
	s16 =	sshll.u32 s16, $0x7  }
0x44: {  	s18 =	sadd.s32 $0x80, s10;
	s17 =	sadd.s32 s15, s19;
	s16 =	ssub.s32 $0x4000, s16  }
0x45: {  	s19 =	sadd.s32 $0x1, s9;
	s16 =	simm.s32 @p1 $0x0;
	p1 =	slt.s32 s18, $0x3E8  }
0x46: {  	s30 =	sadd.s32 $0xFFFFFF99, s17;
	s18 =	simm.s32 @!p1 $0x3E8;
	p1 =	slt.s32 s19, $0x64  }
0x47: {  	s17 =	ssub.s32 $0x68, s17;
	s18 =	ssub.s32 s18, s10;
	s19 =	simm.s32 @!p1 $0x64  }
0x48: {  	p2 =	sgt.s32 s30, $0x0;
	s19 =	ssub.s32 s19, s9;
	p1 =	slt.s32 s18, $0x1  }
0x49: {  	s17 =	simm.s32 @p2 $0x0;
	p2 =	slt.s32 @!p1 s19, $0x1  }
0x4a: {  	s17 =	smul.u32 s17, s16;
	p1 =	por p1, p2  }
.Ltmp3:
0x4b: {  	_ = 	snop;
	(pc) =	sbr.rel @p1 .LBB1_11-.Ltmp3, $4  }
0x4c: {  	s17 =	sand.u32 $0x3FFFFF80, s17  }
0x4d: {  	_ =	swait.ge [sflag:s5], s17  }
0x4e: {  	s31 =	sshll.u32 s8, $0xE;
	s20 =	ssub.s32 $0x0, s17;
	[sflag:s5] =	ssyncset.done $0x0  }
0x4f: {  	s17 =	sand.u32 $0x4000, s31;
	[sflag:s5] =	ssyncadd.s32 s20  }
0x50: {  	s20 =	simm.s32 $0x1  }
0x51: {  	s20 =	simm.s32 @!p0 $0x0  }
0x52: {  	s20 =	sshll.u32 s20, $0x10  }
0x53: {  	s20 =	sshrl.u32 s20, $0x2  }
0x54: {  	s22 =	simm.s32 $0x0;
	s23 =	simm.s32 $0x0;
	s20 =	sadd.s32 $0x8040, s20  }
.LBB1_4:
0x55: {  	s25 =	sshll.u32 s23, $0x7  }
0x56: {  	p2 =	sne.s32 s19, $0x1;
	s25 =	sadd.s32 s25, s17  }
.Ltmp4:
0x57: {  	v0 =	vmov s25;
	(pc) =	sbr.rel @!p2 .LBB1_5-.Ltmp4, $3  }
0x58: {  	_ =	sdelay $0x1  }
0x59: {  	s24 =	sand.u32 $0x3F80, s22;
	s26 =	sand.u32 $0x380, s21  }
0x5a: {  	p1 =	por $0x0, $0x0;
	s24 =	sadd.s32 s24, s20;
	s25 =	sadd.s32 $0xFFFFFFFF, s19  }
0x5b: {  	_ =	sdelay $0x3  }
0x5c: {  	v6 =	vld.idx.msk [tilespmem:v0+s26+$0x70 ss:$0x1], $0xffff  }
0x5d: {  	v7 =	vld.idx.msk [tilespmem:v0+s26+$0x0 ss:$0x1], $0xffff  }
0x5e: {  	v1 =	vld.idx.msk [tilespmem:v0+s26+$0x10 ss:$0x1], $0xffff;
	p2 =	sne.s32 s25, $0x1  }
.Ltmp5:
0x5f: {  	v2 =	vld.idx.msk [tilespmem:v0+s26+$0x20 ss:$0x1], $0xffff;
	(pc) =	sbr.rel @!p2 .LBB1_7-.Ltmp5, $4  }
0x60: {  	v3 =	vld.idx.msk [tilespmem:v0+s26+$0x30 ss:$0x1], $0xffff  }
0x61: {  	v4 =	vld.idx.msk [tilespmem:v0+s26+$0x40 ss:$0x1], $0xffff  }
0x62: {  	v5 =	vld.idx.msk [tilespmem:v0+s26+$0x50 ss:$0x1], $0xffff;
	s28 =	simm.s32 $0x80;
	s29 =	sadd.s32 $0xFFFFFFFF, s25;
	[tilespmem:s24+$0x30] =	vst v6  }
0x63: {  	p1 =	por $0x1, $0x1;
	s25 =	smov.u32 s24;
	s27 =	sand.u32 $0x380, s28;
	[tilespmem:s24+$0xFFFFFFC0] =	vst v7;
	v6 =	vld.idx.msk [tilespmem:v0+s26+$0x60 ss:$0x1], $0xffff  }
.LBB1_8:
0x64: {  	p2 =	sne.s32 s29, $0x1;
	v7 =	vld.idx.msk [tilespmem:v0+s27+$0x70 ss:$0x1], $0xffff;
	[tilespmem:s25+$0xFFFFFFD0] =	vst v1  }
0x65: {  	v8 =	vld.idx.msk [tilespmem:v0+s27+$0x0 ss:$0x1], $0xffff;
	[tilespmem:s25+$0xFFFFFFE0] =	vst v2  }
0x66: {  	v1 =	vld.idx.msk [tilespmem:v0+s27+$0x10 ss:$0x1], $0xffff;
	[tilespmem:s25+$0xFFFFFFF0] =	vst v3  }
.Ltmp6:
0x67: {  	v2 =	vld.idx.msk [tilespmem:v0+s27+$0x20 ss:$0x1], $0xffff;
	[tilespmem:s25+$0x0] =	vst v4;
	(pc) =	sbr.rel @p2 .LBB1_8-.Ltmp6, $4  }
0x68: {  	v3 =	vld.idx.msk [tilespmem:v0+s27+$0x30 ss:$0x1], $0xffff;
	[tilespmem:s25+$0x10] =	vst v5  }
0x69: {  	v4 =	vld.idx.msk [tilespmem:v0+s27+$0x40 ss:$0x1], $0xffff;
	[tilespmem:s25+$0x20] =	vst v6;
	s25 =	sadd.s32 $0x4000, s25  }
0x6a: {  	s28 =	sadd.s32 $0x80, s28;
	v5 =	vld.idx.msk [tilespmem:v0+s27+$0x50 ss:$0x1], $0xffff;
	[tilespmem:s25+$0x30] =	vst v7  }
0x6b: {  	s29 =	sadd.s32 $0xFFFFFFFF, s29;
	[tilespmem:s25+$0xFFFFFFC0] =	vst v8;
	v6 =	vld.idx.msk [tilespmem:v0+s27+$0x60 ss:$0x1], $0xffff;
	s27 =	sand.u32 $0x380, s28  }
0x6c: {  	s26 =	smov.u32 s27  }
.LBB1_10:
0x6d: {  	_ =	sdelay $0x2  }
0x6e: {  	[tilespmem:s25+$0xFFFFFFD0] =	vst @p1 v1  }
0x6f: {  	v56 =	vld.idx.msk [tilespmem:v0+s26+$0x70 ss:$0x1], $0xffff;
	[tilespmem:s25+$0xFFFFFFE0] =	vst @p1 v2  }
0x70: {  	v57 =	vld.idx.msk [tilespmem:v0+s26+$0x0 ss:$0x1], $0xffff;
	[tilespmem:s25+$0xFFFFFFF0] =	vst @p1 v3  }
0x71: {  	v58 =	vld.idx.msk [tilespmem:v0+s26+$0x10 ss:$0x1], $0xffff;
	[tilespmem:s25+$0x0] =	vst @p1 v4  }
0x72: {  	v59 =	vld.idx.msk [tilespmem:v0+s26+$0x20 ss:$0x1], $0xffff;
	s27 =	sadd.s32 @p1 $0x4000, s25;
	[tilespmem:s25+$0x10] =	vst @p1 v5  }
0x73: {  	v60 =	vld.idx.msk [tilespmem:v0+s26+$0x30 ss:$0x1], $0xffff;
	s24 =	smov.u32 @p1 s27;
	[tilespmem:s25+$0x20] =	vst @p1 v6  }
0x74: {  	v61 =	vld.idx.msk [tilespmem:v0+s26+$0x40 ss:$0x1], $0xffff;
	[tilespmem:s24+$0x30] =	vst v56  }
0x75: {  	v62 =	vld.idx.msk [tilespmem:v0+s26+$0x50 ss:$0x1], $0xffff;
	s23 =	sadd.s32 $0x1, s23;
	[tilespmem:s24+$0xFFFFFFC0] =	vst v57  }
0x76: {  	v63 =	vld.idx.msk [tilespmem:v0+s26+$0x60 ss:$0x1], $0xffff;
	p1 =	sne.s32 s23, s18;
	[tilespmem:s24+$0xFFFFFFD0] =	vst v58  }
.Ltmp7:
0x77: {  	[tilespmem:s24+$0xFFFFFFE0] =	vst v59;
	(pc) =	sbr.rel @p1 .LBB1_4-.Ltmp7, $4  }
.Ltmp8:
0x78: {  	[tilespmem:s24+$0xFFFFFFF0] =	vst v60;
	(pc) =	sbr.rel @!p1 .LBB1_11-.Ltmp8, $4  }
0x79: {  	[tilespmem:s24+$0x0] =	vst v61  }
0x7a: {  	[tilespmem:s24+$0x10] =	vst v62  }
0x7b: {  	s22 =	sadd.s32 $0x80, s22;
	[tilespmem:s24+$0x20] =	vst v63  }
0x7c: {  	_ = 	snop  }
.LBB1_5:
.Ltmp9:
0x7d: {  	(pc) =	sbr.rel .LBB1_10-.Ltmp9, $2  }
0x7e: {  	_ =	sdelay $0x2  }
0x7f: {  	s25 =	smov.u32 s24  }
.LBB1_7:
.Ltmp10:
0x80: {  	(pc) =	sbr.rel .LBB1_10-.Ltmp10, $2  }
0x81: {  	_ =	sdelay $0x2  }
0x82: {  	s26 =	smov.u32 s27;
	s25 =	smov.u32 s24  }
.LBB1_13:
0x83: {  	_ =	sfence.sel $0x180000  }
0x84: {  	s2 =	simm.s32 $0x1;
	[bflag:$0x0] =	sbarrier.arrive $0xFFFF  }
0x85: {  	s31 =	simm.s32 $0x2;
	[sflag:s2] =	ssyncpa.u1 $0x1  }
0x86: {  	[sflag:s31] =	ssyncpa.u1 $0x1  }
0x87: {  	p0 =	sne.s32 s1, $0x0;
	_ =	strace $0x90000047  }
0x88: {  	s0 =	sadd.s32 @!p0 $0x100000, s0;
	[bflag:$0x2] =	sbarrier.arrive $0xFFFF  }
0x89: {  	[sflag:s0] =	ssyncadd.tile.s32 @!p0 $0x1;
	_ =	shalt  }
.Lfunc_end1:
_tile_overlayer_lowered:
.L_overlay_start_2:
0x8a: {  	(tag) =	ssettag $0x2  }
0x8b: {  	s0 =	rddreg [dreg:$0x0];
	s2 =	stileid.u32  }
0x8c: {  	s1 =	rddreg [dreg:$0x1];
	p0 =	sne.s32 s2, $0x0  }
0x8d: {  	s3 =	rddreg [dreg:$0x2];
	[bflag:$0x3] =	sbarrier.arrive $0xFFFF;
	s2 =	simm.s32 @!p0 $0x1C01  }
0x8e: {  	[timem:s3], [sflag:s2] =	dma.local @!p0 [hbm:s0], s1  }
0x8f: {  	s0 =	simm.s32 @!p0 $0x1  }
0x90: {  	_ =	swait.ge @!p0 [sflag:s0], s1  }
0x91: {  	s1 =	ssub.s32 @!p0 $0x0, s1;
	[sflag:s0] =	ssyncset.done @!p0 $0x0  }
0x92: {  	[sflag:s0] =	ssyncadd.s32 @!p0 s1  }
0x93: {  	[bflag:$0x3] =	sbarrier.arrive $0xFFFF  }
0x94: {  	_ =	shalt  }

</sc_bundles>
